<compile_context>
chip_gen: v7x
topology: tpu7x:2x2x1
jax: 0.10.2.dev20260603
libtpu: 0.0.44.dev20260713+nightly
codegen_flags: <defaults>
</compile_context>

<pallas_src>
import functools

import jax
import jax.numpy as jnp
from jax import lax
from jax.experimental import pallas as pl
from jax.experimental.pallas import tpu as pltpu, tpu_sc as plsc

_KEEP_RATE = 0.9

_NC, _NS, _L = 2, 16, 16
_NW = _NC * _NS


def _sc_gather(idx, mask_flat):
    b, n = idx.shape
    n_graphs = mask_flat.shape[0] // b
    tok = b * n
    tpw = tok // _NW
    wpr = n // tpw
    mesh = plsc.VectorSubcoreMesh(
        core_axis_name="c", subcore_axis_name="s",
        num_cores=_NC, num_subcores=_NS)

    @functools.partial(
        pl.kernel,
        out_type=jax.ShapeDtypeStruct((tok,), jnp.float32),
        mesh=mesh,
        scratch_types=[
            pltpu.VMEM((tpw,), jnp.int32),
            pltpu.VMEM((mask_flat.shape[0],), jnp.float32),
            pltpu.VMEM((tpw,), jnp.float32),
        ],
        compiler_params=pltpu.CompilerParams(needs_layout_passes=False),
    )
    def k(idx_hbm, mask_hbm, out_hbm, idx_v, mask_v, out_v):
        wid = lax.axis_index("s") * _NC + lax.axis_index("c")
        row = wid // wpr
        col = (wid % wpr) * tpw
        table_off = row * n_graphs
        pltpu.sync_copy(mask_hbm, mask_v)
        pltpu.sync_copy(idx_hbm.at[row, pl.ds(col, tpw)], idx_v)

        def body(i, carry):
            sl = pl.ds(i * _L, _L)
            out_v[sl] = plsc.load_gather(mask_v, [idx_v[sl] + table_off])
            return carry

        lax.fori_loop(0, tpw // _L, body, 0)
        pltpu.sync_copy(out_v, out_hbm.at[pl.ds(row * n + col, tpw)])

    return k(idx, mask_flat)


def _tc_scale(x2, scale2):
    tok, d = x2.shape
    blk = 2048
    rows = blk // 128
    inv_keep = 1.0 / _KEEP_RATE

    def body(x_ref, s_ref, o_ref):
        s_t = jnp.transpose(s_ref[...] * inv_keep)
        for r in range(rows):
            sl = pl.ds(r * 128, 128)
            o_ref[sl, :] = x_ref[sl, :] * s_t[:, r:r + 1]

    return pl.pallas_call(
        body,
        grid=(tok // blk,),
        in_specs=[
            pl.BlockSpec((blk, d), lambda i: (i, 0)),
            pl.BlockSpec((rows, 128), lambda i: (i, 0)),
        ],
        out_specs=pl.BlockSpec((blk, d), lambda i: (i, 0)),
        out_shape=jax.ShapeDtypeStruct((tok, d), x2.dtype),
    )(x2, scale2)


def kernel(x, graph_idxs, graph_mask):
    b, n, d = x.shape
    n_graphs = graph_mask.shape[1]
    tok = b * n
    mask_flat = graph_mask.astype(jnp.float32).reshape(b * n_graphs)
    scale = _sc_gather(graph_idxs.astype(jnp.int32), mask_flat)
    out2 = _tc_scale(x.reshape(tok, d), scale.reshape(tok // 128, 128))
    return out2.reshape(b, n, d)

# --- scband reference (transcript-rebuilt; emitter-appended) ---
"""Pipeline reference for scband-graph-dropout-68461778698615 (READ-ONLY COPY).

The authoritative reference and input builder live on the scoring server;
editing this copy changes nothing except your own understanding.
"""

import jax, jax.numpy as jnp
import numpy as np

DROPOUT_RATE = 0.1
GRAPHS_PER_PACK = 16
B, N, D = 8, 2048, 512


def setup_inputs(seed: int = 0) -> dict:
    key = jax.random.key(seed)
    k1, k2, k3 = jax.random.split(key, 3)
    x = jax.random.normal(k1, (B, N, D), dtype=jnp.float32)
    graph_idxs = jax.random.randint(k2, (B, N), 0, GRAPHS_PER_PACK, dtype=jnp.int64)
    # build(): graph_mask = ceil(uniform(B, graphs_per_pack, 1) - dropout_rate)
    noise = jax.random.uniform(k3, (B, GRAPHS_PER_PACK, 1), dtype=jnp.float32)
    graph_mask = jnp.ceil(noise - DROPOUT_RATE)
    return {"x": x, "graph_idxs": graph_idxs, "graph_mask": graph_mask}


def reference(x, graph_idxs, graph_mask):
    # gather(self.graph_mask, graph_idxs): batched gather along the
    # graphs_per_pack axis -> per-token mask of shape [B, N, 1]
    x_mask = jnp.take_along_axis(graph_mask, graph_idxs[:, :, None], axis=1)
    keep_rate = jnp.asarray(1.0 - DROPOUT_RATE, dtype=x.dtype)
    return (x / keep_rate) * x_mask

if __name__ == "__main__":
    import jax
    _d = setup_inputs()
    print(jax.jit(kernel)(*tuple(_d.values())))

</pallas_src>

<mosaic_0001>
#map = affine_map<(d0, d1) -> (0, 0)>
#map1 = affine_map<(d0, d1) -> (0)>
module attributes {stable_mosaic.version = 14 : i64} {
  func.func @k(%arg0: i32, %arg1: i32, %arg2: memref<8x2048xi32, #tpu.memory_space<hbm>>, %arg3: memref<128xf32, #tpu.memory_space<hbm>>, %arg4: memref<16384xf32, #tpu.memory_space<hbm>>, %arg5: memref<512xi32, #tpu.memory_space<vmem>>, %arg6: memref<128xf32, #tpu.memory_space<vmem>>, %arg7: memref<512xf32, #tpu.memory_space<vmem>>) attributes {dimension_semantics = [#tpu.dimension_semantics<core_parallel>, #tpu.dimension_semantics<subcore_parallel>], iteration_bounds = array<i64: 2, 16>, scalar_prefetch = 0 : i64, scratch_operands = 3 : i64, tpu.core_type = #tpu.core_type<sc_vector_subcore>, window_params = [{transform_indices = #map}, {transform_indices = #map1}, {transform_indices = #map1}]} {
    %mul3A = arith.constant 2 : i32
    %mul3A_0 = arith.muli %arg1, %mul3A : i32
    %add3A = arith.addi %mul3A_0, %arg0 : i32
    %jit3A = arith.constant 4 : i32
    %div3A = arith.divsi %add3A, %jit3A : i32
    %sign3A = arith.constant 0 : i32
    %sign3A_1 = arith.cmpi sgt, %add3A, %sign3A : i32
    %sign3A_2 = arith.extui %sign3A_1 : i1 to i32
    %sign3A_3 = arith.constant 0 : i32
    %sign3A_4 = arith.cmpi slt, %add3A, %sign3A_3 : i32
    %sign3A_5 = arith.extui %sign3A_4 : i1 to i32
    %sign3A_6 = arith.subi %sign3A_2, %sign3A_5 : i32
    %sign3A_7 = arith.constant 0 : i32
    %sign3A_8 = arith.cmpi sgt, %jit3A, %sign3A_7 : i32
    %sign3A_9 = arith.extui %sign3A_8 : i1 to i32
    %sign3A_10 = arith.constant 0 : i32
    %sign3A_11 = arith.cmpi slt, %jit3A, %sign3A_10 : i32
    %sign3A_12 = arith.extui %sign3A_11 : i1 to i32
    %sign3A_13 = arith.subi %sign3A_9, %sign3A_12 : i32
    %ne3A = arith.cmpi ne, %sign3A_6, %sign3A_13 : i32
    %rem3A = arith.remsi %add3A, %jit3A : i32
    %ne3A_14 = arith.constant 0 : i32
    %ne3A_15 = arith.cmpi ne, %rem3A, %ne3A_14 : i32
    %and3A = arith.andi %ne3A, %ne3A_15 : i1
    %sub3A = arith.constant 1 : i32
    %sub3A_16 = arith.subi %div3A, %sub3A : i32
    %select_n3A = arith.select %and3A, %sub3A_16, %div3A : i32
    %jit3A_17 = arith.constant 4 : i32
    %eq3A = arith.constant 0 : i32
    %eq3A_18 = arith.cmpi eq, %jit3A_17, %eq3A : i32
    %jit3A_19 = arith.constant 1 : i32
    %select_n3A_20 = arith.select %eq3A_18, %jit3A_19, %jit3A_17 : i32
    %rem3A_21 = arith.remsi %add3A, %select_n3A_20 : i32
    %ne3A_22 = arith.constant 0 : i32
    %ne3A_23 = arith.cmpi ne, %rem3A_21, %ne3A_22 : i32
    %lt3A = arith.constant 0 : i32
    %lt3A_24 = arith.cmpi slt, %rem3A_21, %lt3A : i32
    %lt3A_25 = arith.constant 0 : i32
    %lt3A_26 = arith.cmpi slt, %select_n3A_20, %lt3A_25 : i32
    %ne3A_27 = arith.xori %lt3A_24, %lt3A_26 : i1
    %and3A_28 = arith.andi %ne3A_27, %ne3A_23 : i1
    %add3A_29 = arith.addi %rem3A_21, %select_n3A_20 : i32
    %select_n3A_30 = arith.select %and3A_28, %add3A_29, %rem3A_21 : i32
    %mul3A_31 = arith.constant 512 : i32
    %mul3A_32 = arith.muli %select_n3A_30, %mul3A_31 : i32
    %mul3A_33 = arith.constant 16 : i32
    %mul3A_34 = arith.muli %select_n3A, %mul3A_33 : i32
    "tpu.region"() ({
      %run_scoped3A = tpu.sem_alloc : memref<!tpu.dma_semaphore, #tpu.memory_space<semaphore_mem>>
      tpu.enqueue_dma source(%arg3 : memref<128xf32, #tpu.memory_space<hbm>>) target(%arg6 : memref<128xf32, #tpu.memory_space<vmem>>) target_semaphore(%run_scoped3A : memref<!tpu.dma_semaphore, #tpu.memory_space<semaphore_mem>>)
      tpu.wait_dma2 semaphore(%run_scoped3A : memref<!tpu.dma_semaphore, #tpu.memory_space<semaphore_mem>>) src(%arg3 : memref<128xf32, #tpu.memory_space<hbm>>) dst(%arg6 : memref<128xf32, #tpu.memory_space<vmem>>)
      tpu.yield
    }) : () -> ()
    "tpu.region"() ({
      %run_scoped3A = tpu.sem_alloc : memref<!tpu.dma_semaphore, #tpu.memory_space<semaphore_mem>>
      %dma_start3A = tpu.memref_slice %arg2[%select_n3A, %mul3A_32] : memref<8x2048xi32, #tpu.memory_space<hbm>> -> memref<1x512xi32, #tpu.memory_space<hbm>>
      %dma_start3A_43 = tpu.memref_squeeze %dma_start3A : memref<1x512xi32, #tpu.memory_space<hbm>> -> memref<512xi32, #tpu.memory_space<hbm>>
      %dma_start3A_44 = tpu.memref_slice %arg2[%select_n3A, %mul3A_32] : memref<8x2048xi32, #tpu.memory_space<hbm>> -> memref<1x512xi32, #tpu.memory_space<hbm>>
      %dma_start3A_45 = tpu.memref_squeeze %dma_start3A_44 : memref<1x512xi32, #tpu.memory_space<hbm>> -> memref<512xi32, #tpu.memory_space<hbm>>
      tpu.enqueue_dma source(%dma_start3A_45 : memref<512xi32, #tpu.memory_space<hbm>>) target(%arg5 : memref<512xi32, #tpu.memory_space<vmem>>) target_semaphore(%run_scoped3A : memref<!tpu.dma_semaphore, #tpu.memory_space<semaphore_mem>>)
      %dma_wait3A = tpu.memref_slice %arg2[%select_n3A, %mul3A_32] : memref<8x2048xi32, #tpu.memory_space<hbm>> -> memref<1x512xi32, #tpu.memory_space<hbm>>
      %dma_wait3A_46 = tpu.memref_squeeze %dma_wait3A : memref<1x512xi32, #tpu.memory_space<hbm>> -> memref<512xi32, #tpu.memory_space<hbm>>
      %dma_wait3A_47 = tpu.memref_slice %arg2[%select_n3A, %mul3A_32] : memref<8x2048xi32, #tpu.memory_space<hbm>> -> memref<1x512xi32, #tpu.memory_space<hbm>>
      %dma_wait3A_48 = tpu.memref_squeeze %dma_wait3A_47 : memref<1x512xi32, #tpu.memory_space<hbm>> -> memref<512xi32, #tpu.memory_space<hbm>>
      tpu.wait_dma2 semaphore(%run_scoped3A : memref<!tpu.dma_semaphore, #tpu.memory_space<semaphore_mem>>) src(%dma_wait3A_48 : memref<512xi32, #tpu.memory_space<hbm>>) dst(%arg5 : memref<512xi32, #tpu.memory_space<vmem>>)
      tpu.yield
    }) : () -> ()
    %scan3A = arith.constant 0 : i32
    %scan3A_35 = arith.constant 0 : i32
    %scan3A_36 = arith.constant 32 : i32
    %scan3A_37 = arith.addi %scan3A_35, %scan3A_36 : i32
    %scan3A_38 = arith.constant 1 : i32
    scf.for %scan3A_43 = %scan3A_35 to %scan3A_37 step %scan3A_38  : i32 {
      %mul3A_44 = arith.constant 16 : i32
      %mul3A_45 = arith.muli %scan3A_43, %mul3A_44 : i32
      %get3A = arith.index_cast %mul3A_45 : i32 to index
      %get3A_46 = tpu.vector_load %arg5[%get3A] {strides = array<i32>} : memref<512xi32, #tpu.memory_space<vmem>>, vector<16xi32>,
      %add3A_47 = vector.broadcast %mul3A_34 : i32 to vector<16xi32>
      %add3A_48 = arith.addi %get3A_46, %add3A_47 : vector<16xi32>
      %gather3A = tpu.vector_load_idx %arg6[%add3A_48] : memref<128xf32, #tpu.memory_space<vmem>>[vector<16xi32>], vector<16xf32>,
      %swap3A = arith.index_cast %mul3A_45 : i32 to index
      %swap3A_49 = tpu.vector_load %arg7[%swap3A] {strides = array<i32>} : memref<512xf32, #tpu.memory_space<vmem>>, vector<16xf32>,
      tpu.vector_store %arg7[%swap3A], %gather3A {strides = array<i32>} : memref<512xf32, #tpu.memory_space<vmem>>, vector<16xf32>,
    }
    %scan3A_39 = arith.constant 32 : i32
    %mul3A_40 = arith.constant 2048 : i32
    %mul3A_41 = arith.muli %select_n3A, %mul3A_40 : i32
    %add3A_42 = arith.addi %mul3A_41, %mul3A_32 : i32
    "tpu.region"() ({
      %run_scoped3A = tpu.sem_alloc : memref<!tpu.dma_semaphore, #tpu.memory_space<semaphore_mem>>
      %dma_start3A = tpu.memref_slice %arg4[%add3A_42] : memref<16384xf32, #tpu.memory_space<hbm>> -> memref<512xf32, #tpu.memory_space<hbm>>
      %dma_start3A_43 = tpu.memref_slice %arg4[%add3A_42] : memref<16384xf32, #tpu.memory_space<hbm>> -> memref<512xf32, #tpu.memory_space<hbm>>
      tpu.enqueue_dma source(%arg7 : memref<512xf32, #tpu.memory_space<vmem>>) target(%dma_start3A_43 : memref<512xf32, #tpu.memory_space<hbm>>) target_semaphore(%run_scoped3A : memref<!tpu.dma_semaphore, #tpu.memory_space<semaphore_mem>>)
      %dma_wait3A = tpu.memref_slice %arg4[%add3A_42] : memref<16384xf32, #tpu.memory_space<hbm>> -> memref<512xf32, #tpu.memory_space<hbm>>
      %dma_wait3A_44 = tpu.memref_slice %arg4[%add3A_42] : memref<16384xf32, #tpu.memory_space<hbm>> -> memref<512xf32, #tpu.memory_space<hbm>>
      tpu.wait_dma2 semaphore(%run_scoped3A : memref<!tpu.dma_semaphore, #tpu.memory_space<semaphore_mem>>) src(%arg7 : memref<512xf32, #tpu.memory_space<vmem>>) dst(%dma_wait3A_44 : memref<512xf32, #tpu.memory_space<hbm>>)
      tpu.yield
    }) : () -> ()
    return
  }
}

module attributes {stable_mosaic.version = 14 : i64} {
  func.func @body(%arg0: i32, %arg1: memref<2048x512xf32, #tpu.memory_space<vmem>>, %arg2: memref<16x128xf32, #tpu.memory_space<vmem>>, %arg3: memref<2048x512xf32, #tpu.memory_space<vmem>>) attributes {dimension_semantics = [#tpu.dimension_semantics<arbitrary>], iteration_bounds = array<i64: 8>, scalar_prefetch = 0 : i64, scratch_operands = 0 : i64, tpu.core_type = #tpu.core_type<tc>, window_params = [{transform_indices = @transform_0, window_bounds = array<i64: 2048, 512>}, {transform_indices = @transform_1, window_bounds = array<i64: 16, 128>}, {transform_indices = @transform_2, window_bounds = array<i64: 2048, 512>}]} {
    %get3A = arith.constant 0 : index
    %get3A_0 = arith.constant 0 : index
    %get3A_1 = vector.load %arg2[%get3A, %get3A_0] : memref<16x128xf32, #tpu.memory_space<vmem>>, vector<16x128xf32>
    %mul3A = arith.constant 1.11111116 : f32
    %mul3A_2 = vector.broadcast %mul3A : f32 to vector<16x128xf32>
    %mul3A_3 = arith.mulf %get3A_1, %mul3A_2 : vector<16x128xf32>
    %transpose3A = tpu.transpose %mul3A_3, [1, 0] : vector<16x128xf32> -> vector<128x16xf32>
    %get3A_4 = arith.constant 0 : index
    %get3A_5 = arith.constant 0 : index
    %get3A_6 = vector.load %arg1[%get3A_4, %get3A_5] : memref<2048x512xf32, #tpu.memory_space<vmem>>, vector<128x512xf32>
    %slice3A = vector.extract_strided_slice %transpose3A {offsets = [0, 0], sizes = [128, 1], strides = [1, 1]} : vector<128x16xf32> to vector<128x1xf32>
    %mul3A_7 = vector.broadcast %slice3A : vector<128x1xf32> to vector<128x512xf32>
    %mul3A_8 = arith.mulf %get3A_6, %mul3A_7 : vector<128x512xf32>
    %swap3A = arith.constant 0 : index
    %swap3A_9 = arith.constant 0 : index
    %swap3A_10 = vector.load %arg3[%swap3A, %swap3A_9] : memref<2048x512xf32, #tpu.memory_space<vmem>>, vector<128x512xf32>
    tpu.vector_store %arg3[%swap3A, %swap3A_9], %mul3A_8 {strides = array<i32>} : memref<2048x512xf32, #tpu.memory_space<vmem>>, vector<128x512xf32>,
    %get3A_11 = arith.constant 128 : index
    %get3A_12 = arith.constant 0 : index
    %get3A_13 = vector.load %arg1[%get3A_11, %get3A_12] : memref<2048x512xf32, #tpu.memory_space<vmem>>, vector<128x512xf32>
    %slice3A_14 = vector.extract_strided_slice %transpose3A {offsets = [0, 1], sizes = [128, 1], strides = [1, 1]} : vector<128x16xf32> to vector<128x1xf32>
    %mul3A_15 = vector.broadcast %slice3A_14 : vector<128x1xf32> to vector<128x512xf32>
    %mul3A_16 = arith.mulf %get3A_13, %mul3A_15 : vector<128x512xf32>
    %swap3A_17 = arith.constant 128 : index
    %swap3A_18 = arith.constant 0 : index
    %swap3A_19 = vector.load %arg3[%swap3A_17, %swap3A_18] : memref<2048x512xf32, #tpu.memory_space<vmem>>, vector<128x512xf32>
    tpu.vector_store %arg3[%swap3A_17, %swap3A_18], %mul3A_16 {strides = array<i32>} : memref<2048x512xf32, #tpu.memory_space<vmem>>, vector<128x512xf32>,
    %get3A_20 = arith.constant 256 : index
    %get3A_21 = arith.constant 0 : index
    %get3A_22 = vector.load %arg1[%get3A_20, %get3A_21] : memref<2048x512xf32, #tpu.memory_space<vmem>>, vector<128x512xf32>
    %slice3A_23 = vector.extract_strided_slice %transpose3A {offsets = [0, 2], sizes = [128, 1], strides = [1, 1]} : vector<128x16xf32> to vector<128x1xf32>
    %mul3A_24 = vector.broadcast %slice3A_23 : vector<128x1xf32> to vector<128x512xf32>
    %mul3A_25 = arith.mulf %get3A_22, %mul3A_24 : vector<128x512xf32>
    %swap3A_26 = arith.constant 256 : index
    %swap3A_27 = arith.constant 0 : index
    %swap3A_28 = vector.load %arg3[%swap3A_26, %swap3A_27] : memref<2048x512xf32, #tpu.memory_space<vmem>>, vector<128x512xf32>
    tpu.vector_store %arg3[%swap3A_26, %swap3A_27], %mul3A_25 {strides = array<i32>} : memref<2048x512xf32, #tpu.memory_space<vmem>>, vector<128x512xf32>,
    %get3A_29 = arith.constant 384 : index
    %get3A_30 = arith.constant 0 : index
    %get3A_31 = vector.load %arg1[%get3A_29, %get3A_30] : memref<2048x512xf32, #tpu.memory_space<vmem>>, vector<128x512xf32>
    %slice3A_32 = vector.extract_strided_slice %transpose3A {offsets = [0, 3], sizes = [128, 1], strides = [1, 1]} : vector<128x16xf32> to vector<128x1xf32>
    %mul3A_33 = vector.broadcast %slice3A_32 : vector<128x1xf32> to vector<128x512xf32>
    %mul3A_34 = arith.mulf %get3A_31, %mul3A_33 : vector<128x512xf32>
    %swap3A_35 = arith.constant 384 : index
    %swap3A_36 = arith.constant 0 : index
    %swap3A_37 = vector.load %arg3[%swap3A_35, %swap3A_36] : memref<2048x512xf32, #tpu.memory_space<vmem>>, vector<128x512xf32>
    tpu.vector_store %arg3[%swap3A_35, %swap3A_36], %mul3A_34 {strides = array<i32>} : memref<2048x512xf32, #tpu.memory_space<vmem>>, vector<128x512xf32>,
    %get3A_38 = arith.constant 512 : index
    %get3A_39 = arith.constant 0 : index
    %get3A_40 = vector.load %arg1[%get3A_38, %get3A_39] : memref<2048x512xf32, #tpu.memory_space<vmem>>, vector<128x512xf32>
    %slice3A_41 = vector.extract_strided_slice %transpose3A {offsets = [0, 4], sizes = [128, 1], strides = [1, 1]} : vector<128x16xf32> to vector<128x1xf32>
    %mul3A_42 = vector.broadcast %slice3A_41 : vector<128x1xf32> to vector<128x512xf32>
    %mul3A_43 = arith.mulf %get3A_40, %mul3A_42 : vector<128x512xf32>
    %swap3A_44 = arith.constant 512 : index
    %swap3A_45 = arith.constant 0 : index
    %swap3A_46 = vector.load %arg3[%swap3A_44, %swap3A_45] : memref<2048x512xf32, #tpu.memory_space<vmem>>, vector<128x512xf32>
    tpu.vector_store %arg3[%swap3A_44, %swap3A_45], %mul3A_43 {strides = array<i32>} : memref<2048x512xf32, #tpu.memory_space<vmem>>, vector<128x512xf32>,
    %get3A_47 = arith.constant 640 : index
    %get3A_48 = arith.constant 0 : index
    %get3A_49 = vector.load %arg1[%get3A_47, %get3A_48] : memref<2048x512xf32, #tpu.memory_space<vmem>>, vector<128x512xf32>
    %slice3A_50 = vector.extract_strided_slice %transpose3A {offsets = [0, 5], sizes = [128, 1], strides = [1, 1]} : vector<128x16xf32> to vector<128x1xf32>
    %mul3A_51 = vector.broadcast %slice3A_50 : vector<128x1xf32> to vector<128x512xf32>
    %mul3A_52 = arith.mulf %get3A_49, %mul3A_51 : vector<128x512xf32>
    %swap3A_53 = arith.constant 640 : index
    %swap3A_54 = arith.constant 0 : index
    %swap3A_55 = vector.load %arg3[%swap3A_53, %swap3A_54] : memref<2048x512xf32, #tpu.memory_space<vmem>>, vector<128x512xf32>
    tpu.vector_store %arg3[%swap3A_53, %swap3A_54], %mul3A_52 {strides = array<i32>} : memref<2048x512xf32, #tpu.memory_space<vmem>>, vector<128x512xf32>,
    %get3A_56 = arith.constant 768 : index
    %get3A_57 = arith.constant 0 : index
    %get3A_58 = vector.load %arg1[%get3A_56, %get3A_57] : memref<2048x512xf32, #tpu.memory_space<vmem>>, vector<128x512xf32>
    %slice3A_59 = vector.extract_strided_slice %transpose3A {offsets = [0, 6], sizes = [128, 1], strides = [1, 1]} : vector<128x16xf32> to vector<128x1xf32>
    %mul3A_60 = vector.broadcast %slice3A_59 : vector<128x1xf32> to vector<128x512xf32>
    %mul3A_61 = arith.mulf %get3A_58, %mul3A_60 : vector<128x512xf32>
    %swap3A_62 = arith.constant 768 : index
    %swap3A_63 = arith.constant 0 : index
    %swap3A_64 = vector.load %arg3[%swap3A_62, %swap3A_63] : memref<2048x512xf32, #tpu.memory_space<vmem>>, vector<128x512xf32>
    tpu.vector_store %arg3[%swap3A_62, %swap3A_63], %mul3A_61 {strides = array<i32>} : memref<2048x512xf32, #tpu.memory_space<vmem>>, vector<128x512xf32>,
    %get3A_65 = arith.constant 896 : index
    %get3A_66 = arith.constant 0 : index
    %get3A_67 = vector.load %arg1[%get3A_65, %get3A_66] : memref<2048x512xf32, #tpu.memory_space<vmem>>, vector<128x512xf32>
    %slice3A_68 = vector.extract_strided_slice %transpose3A {offsets = [0, 7], sizes = [128, 1], strides = [1, 1]} : vector<128x16xf32> to vector<128x1xf32>
    %mul3A_69 = vector.broadcast %slice3A_68 : vector<128x1xf32> to vector<128x512xf32>
    %mul3A_70 = arith.mulf %get3A_67, %mul3A_69 : vector<128x512xf32>
    %swap3A_71 = arith.constant 896 : index
    %swap3A_72 = arith.constant 0 : index
    %swap3A_73 = vector.load %arg3[%swap3A_71, %swap3A_72] : memref<2048x512xf32, #tpu.memory_space<vmem>>, vector<128x512xf32>
    tpu.vector_store %arg3[%swap3A_71, %swap3A_72], %mul3A_70 {strides = array<i32>} : memref<2048x512xf32, #tpu.memory_space<vmem>>, vector<128x512xf32>,
    %get3A_74 = arith.constant 1024 : index
    %get3A_75 = arith.constant 0 : index
    %get3A_76 = vector.load %arg1[%get3A_74, %get3A_75] : memref<2048x512xf32, #tpu.memory_space<vmem>>, vector<128x512xf32>
    %slice3A_77 = vector.extract_strided_slice %transpose3A {offsets = [0, 8], sizes = [128, 1], strides = [1, 1]} : vector<128x16xf32> to vector<128x1xf32>
    %mul3A_78 = vector.broadcast %slice3A_77 : vector<128x1xf32> to vector<128x512xf32>
    %mul3A_79 = arith.mulf %get3A_76, %mul3A_78 : vector<128x512xf32>
    %swap3A_80 = arith.constant 1024 : index
    %swap3A_81 = arith.constant 0 : index
    %swap3A_82 = vector.load %arg3[%swap3A_80, %swap3A_81] : memref<2048x512xf32, #tpu.memory_space<vmem>>, vector<128x512xf32>
    tpu.vector_store %arg3[%swap3A_80, %swap3A_81], %mul3A_79 {strides = array<i32>} : memref<2048x512xf32, #tpu.memory_space<vmem>>, vector<128x512xf32>,
    %get3A_83 = arith.constant 1152 : index
    %get3A_84 = arith.constant 0 : index
    %get3A_85 = vector.load %arg1[%get3A_83, %get3A_84] : memref<2048x512xf32, #tpu.memory_space<vmem>>, vector<128x512xf32>
    %slice3A_86 = vector.extract_strided_slice %transpose3A {offsets = [0, 9], sizes = [128, 1], strides = [1, 1]} : vector<128x16xf32> to vector<128x1xf32>
    %mul3A_87 = vector.broadcast %slice3A_86 : vector<128x1xf32> to vector<128x512xf32>
    %mul3A_88 = arith.mulf %get3A_85, %mul3A_87 : vector<128x512xf32>
    %swap3A_89 = arith.constant 1152 : index
    %swap3A_90 = arith.constant 0 : index
    %swap3A_91 = vector.load %arg3[%swap3A_89, %swap3A_90] : memref<2048x512xf32, #tpu.memory_space<vmem>>, vector<128x512xf32>
    tpu.vector_store %arg3[%swap3A_89, %swap3A_90], %mul3A_88 {strides = array<i32>} : memref<2048x512xf32, #tpu.memory_space<vmem>>, vector<128x512xf32>,
    %get3A_92 = arith.constant 1280 : index
    %get3A_93 = arith.constant 0 : index
    %get3A_94 = vector.load %arg1[%get3A_92, %get3A_93] : memref<2048x512xf32, #tpu.memory_space<vmem>>, vector<128x512xf32>
    %slice3A_95 = vector.extract_strided_slice %transpose3A {offsets = [0, 10], sizes = [128, 1], strides = [1, 1]} : vector<128x16xf32> to vector<128x1xf32>
    %mul3A_96 = vector.broadcast %slice3A_95 : vector<128x1xf32> to vector<128x512xf32>
    %mul3A_97 = arith.mulf %get3A_94, %mul3A_96 : vector<128x512xf32>
    %swap3A_98 = arith.constant 1280 : index
    %swap3A_99 = arith.constant 0 : index
    %swap3A_100 = vector.load %arg3[%swap3A_98, %swap3A_99] : memref<2048x512xf32, #tpu.memory_space<vmem>>, vector<128x512xf32>
    tpu.vector_store %arg3[%swap3A_98, %swap3A_99], %mul3A_97 {strides = array<i32>} : memref<2048x512xf32, #tpu.memory_space<vmem>>, vector<128x512xf32>,
    %get3A_101 = arith.constant 1408 : index
    %get3A_102 = arith.constant 0 : index
    %get3A_103 = vector.load %arg1[%get3A_101, %get3A_102] : memref<2048x512xf32, #tpu.memory_space<vmem>>, vector<128x512xf32>
    %slice3A_104 = vector.extract_strided_slice %transpose3A {offsets = [0, 11], sizes = [128, 1], strides = [1, 1]} : vector<128x16xf32> to vector<128x1xf32>
    %mul3A_105 = vector.broadcast %slice3A_104 : vector<128x1xf32> to vector<128x512xf32>
    %mul3A_106 = arith.mulf %get3A_103, %mul3A_105 : vector<128x512xf32>
    %swap3A_107 = arith.constant 1408 : index
    %swap3A_108 = arith.constant 0 : index
    %swap3A_109 = vector.load %arg3[%swap3A_107, %swap3A_108] : memref<2048x512xf32, #tpu.memory_space<vmem>>, vector<128x512xf32>
    tpu.vector_store %arg3[%swap3A_107, %swap3A_108], %mul3A_106 {strides = array<i32>} : memref<2048x512xf32, #tpu.memory_space<vmem>>, vector<128x512xf32>,
    %get3A_110 = arith.constant 1536 : index
    %get3A_111 = arith.constant 0 : index
    %get3A_112 = vector.load %arg1[%get3A_110, %get3A_111] : memref<2048x512xf32, #tpu.memory_space<vmem>>, vector<128x512xf32>
    %slice3A_113 = vector.extract_strided_slice %transpose3A {offsets = [0, 12], sizes = [128, 1], strides = [1, 1]} : vector<128x16xf32> to vector<128x1xf32>
    %mul3A_114 = vector.broadcast %slice3A_113 : vector<128x1xf32> to vector<128x512xf32>
    %mul3A_115 = arith.mulf %get3A_112, %mul3A_114 : vector<128x512xf32>
    %swap3A_116 = arith.constant 1536 : index
    %swap3A_117 = arith.constant 0 : index
    %swap3A_118 = vector.load %arg3[%swap3A_116, %swap3A_117] : memref<2048x512xf32, #tpu.memory_space<vmem>>, vector<128x512xf32>
    tpu.vector_store %arg3[%swap3A_116, %swap3A_117], %mul3A_115 {strides = array<i32>} : memref<2048x512xf32, #tpu.memory_space<vmem>>, vector<128x512xf32>,
    %get3A_119 = arith.constant 1664 : index
    %get3A_120 = arith.constant 0 : index
    %get3A_121 = vector.load %arg1[%get3A_119, %get3A_120] : memref<2048x512xf32, #tpu.memory_space<vmem>>, vector<128x512xf32>
    %slice3A_122 = vector.extract_strided_slice %transpose3A {offsets = [0, 13], sizes = [128, 1], strides = [1, 1]} : vector<128x16xf32> to vector<128x1xf32>
    %mul3A_123 = vector.broadcast %slice3A_122 : vector<128x1xf32> to vector<128x512xf32>
    %mul3A_124 = arith.mulf %get3A_121, %mul3A_123 : vector<128x512xf32>
    %swap3A_125 = arith.constant 1664 : index
    %swap3A_126 = arith.constant 0 : index
    %swap3A_127 = vector.load %arg3[%swap3A_125, %swap3A_126] : memref<2048x512xf32, #tpu.memory_space<vmem>>, vector<128x512xf32>
    tpu.vector_store %arg3[%swap3A_125, %swap3A_126], %mul3A_124 {strides = array<i32>} : memref<2048x512xf32, #tpu.memory_space<vmem>>, vector<128x512xf32>,
    %get3A_128 = arith.constant 1792 : index
    %get3A_129 = arith.constant 0 : index
    %get3A_130 = vector.load %arg1[%get3A_128, %get3A_129] : memref<2048x512xf32, #tpu.memory_space<vmem>>, vector<128x512xf32>
    %slice3A_131 = vector.extract_strided_slice %transpose3A {offsets = [0, 14], sizes = [128, 1], strides = [1, 1]} : vector<128x16xf32> to vector<128x1xf32>
    %mul3A_132 = vector.broadcast %slice3A_131 : vector<128x1xf32> to vector<128x512xf32>
    %mul3A_133 = arith.mulf %get3A_130, %mul3A_132 : vector<128x512xf32>
    %swap3A_134 = arith.constant 1792 : index
    %swap3A_135 = arith.constant 0 : index
    %swap3A_136 = vector.load %arg3[%swap3A_134, %swap3A_135] : memref<2048x512xf32, #tpu.memory_space<vmem>>, vector<128x512xf32>
    tpu.vector_store %arg3[%swap3A_134, %swap3A_135], %mul3A_133 {strides = array<i32>} : memref<2048x512xf32, #tpu.memory_space<vmem>>, vector<128x512xf32>,
    %get3A_137 = arith.constant 1920 : index
    %get3A_138 = arith.constant 0 : index
    %get3A_139 = vector.load %arg1[%get3A_137, %get3A_138] : memref<2048x512xf32, #tpu.memory_space<vmem>>, vector<128x512xf32>
    %slice3A_140 = vector.extract_strided_slice %transpose3A {offsets = [0, 15], sizes = [128, 1], strides = [1, 1]} : vector<128x16xf32> to vector<128x1xf32>
    %mul3A_141 = vector.broadcast %slice3A_140 : vector<128x1xf32> to vector<128x512xf32>
    %mul3A_142 = arith.mulf %get3A_139, %mul3A_141 : vector<128x512xf32>
    %swap3A_143 = arith.constant 1920 : index
    %swap3A_144 = arith.constant 0 : index
    %swap3A_145 = vector.load %arg3[%swap3A_143, %swap3A_144] : memref<2048x512xf32, #tpu.memory_space<vmem>>, vector<128x512xf32>
    tpu.vector_store %arg3[%swap3A_143, %swap3A_144], %mul3A_142 {strides = array<i32>} : memref<2048x512xf32, #tpu.memory_space<vmem>>, vector<128x512xf32>,
    return
  }
  func.func @transform_0(%arg0: i32) -> (i32, i32) {
    %c0_i32 = arith.constant 0 : i32
    %c0_i32_0 = arith.constant 0 : i32
    return %arg0, %c0_i32 : i32, i32
  }
  func.func @transform_1(%arg0: i32) -> (i32, i32) {
    %c0_i32 = arith.constant 0 : i32
    %c0_i32_0 = arith.constant 0 : i32
    return %arg0, %c0_i32 : i32, i32
  }
  func.func @transform_2(%arg0: i32) -> (i32, i32) {
    %c0_i32 = arith.constant 0 : i32
    %c0_i32_0 = arith.constant 0 : i32
    return %arg0, %c0_i32 : i32, i32
  }
}

</mosaic_0001>

<sc_bundles>
// kernel: kernel.4.cloned.1.call-start
scs
__scs_entry_jumppad:
0x0: {  	(pc) =	sbr.rel $0x88, $3  }
0x1: {  	(tag) =	ssettag $0x0;
	lr =	simm.s32 $0x1  }
0x2: {  	[smem:$0x3F9E] =	sst lr;
	_ =	strace $0xD0000000  }
0x3: {  	_ = 	snop  }
0x4: {  	_ = 	snop  }
0x5: {  	_ = 	snop  }
0x6: {  	_ = 	snop  }
0x7: {  	_ = 	snop  }
__scs_overlays_trampoline_lowered:
0x8: {  	[smem:$0x3FAD] =	sst s0  }
0x9: {  	[smem:$0x3FAE] =	sst s1  }
0xa: {  	[smem:$0x3FAF] =	sst s2  }
0xb: {  	[smem:$0x3FB0] =	sst s3  }
0xc: {  	[smem:$0x3FB1] =	sst s4  }
0xd: {  	[smem:$0x3FB2] =	sst s5  }
0xe: {  	[smem:$0x3FB3] =	sst s6  }
0xf: {  	[smem:$0x3FB4] =	sst s7  }
0x10: {  	[smem:$0x3FB5] =	sst s8  }
0x11: {  	[smem:$0x3FB6] =	sst s9;
	s0 =	simm.s32 @!p0 $0x0  }
0x12: {  	s1 =	sld [smem:$0x3F9C];
	s0 =	simm.s32 @p0 $0x1  }
0x13: {  	[smem:$0x3FB7] =	sst s0;
	s0 =	simm.s32 @!p1 $0x0  }
0x14: {  	s2 =	sld [smem:$0x3F9B];
	s0 =	simm.s32 @p1 $0x1  }
0x15: {  	[smem:$0x3FB8] =	sst s0;
	s0 =	simm.s32 @!p2 $0x0  }
0x16: {  	s3 =	sld [smem:$0x3FDB];
	s0 =	simm.s32 @p2 $0x1  }
0x17: {  	s4 =	simm.s32 $0x1BF5;
	[smem:$0x3FBA] =	sst s0  }
0x18: {  	s0 =	sld [smem:$0x3F9D];
	_ =	swait.ge [sflag:s4], $0x0  }
0x19: {  	s7 =	sld [smem:$0x3F9E]  }
0x1a: {  	s8 =	sadd.s32 $0xFFFFE003, lr  }
0x1b: {  	s9 =	sadd.s32 $0xFFFFFEF7, lr;
	s5 =	simm.s32 $0xFFFFFFFF;
	p2 =	slt.u32 s8, $0xFFFFF086  }
0x1c: {  	p1 =	slt.u32 s9, $0xF7A;
	s5 =	simm.s32 @!p2 $0x0  }
0x1d: {  	s5 =	simm.s32 @p1 $0x1;
	p0 =	seq.s32 s7, s2  }
0x1e: {  	s7 =	smul.u32 @!p0 $0xF7A, s2;
	p2 =	seq.s32 @!p0 s5, $0x0  }
0x1f: {  	s9 =	smul.u32 $0xF7A, s1;
	s8 =	simm.s32 @!p0 $0x1BF5;
	p2 =	por !p2, p0  }
0x20: {  	[sflag:s8] =	ssyncset.s32 @!p0 $0xFFFFF086;
	s6 =	sadd.s32 @!p0 s3, s7;
	s7 =	simm.s32 @!p0 $0x108  }
0x21: {  	s3 =	sadd.s32 s3, s9;
	s6 =	sadd.s32 @!p0 $0x88, s6;
	s7 =	simm.s32 @p2 $0x1082  }
0x22: {  	[simem:s7], [sflag:s8] =	dma.local @!p0 [hbm:s6], $0xF7A  }
0x23: {  	s9 =	sor.u32 $0xD0000000, s2;
	s6 =	simm.s32 $0x108;
	_ =	swait.ge @!p0 [sflag:s8], $0x0  }
0x24: {  	s3 =	sadd.s32 $0x88, s3;
	s6 =	simm.s32 @!p1 $0x1082;
	[sflag:s4] =	ssyncset.s32 $0xFFFFF086  }
0x25: {  	[simem:s6], [sflag:s4] =	dma.local [hbm:s3], $0xF7A  }
0x26: {  	[smem:$0x3F9E] =	sst s1;
	(tag) =	ssettag s2;
	_ =	strace s9  }
0x27: {  	s1 =	sld [smem:$0x3FAE]  }
0x28: {  	s2 =	sld [smem:$0x3FAF]  }
0x29: {  	s4 =	sld [smem:$0x3FB1]  }
0x2a: {  	p0 =	seq.s32 s5, $0x0;
	s5 =	sld [smem:$0x3FB2]  }
0x2b: {  	s6 =	sld [smem:$0x3FB3]  }
0x2c: {  	s7 =	sld [smem:$0x3FB4]  }
0x2d: {  	s3 =	simm.s32 $0x108;
	s8 =	sld [smem:$0x3FB5]  }
0x2e: {  	s3 =	simm.s32 @!p0 $0x1082;
	s9 =	sld [smem:$0x3FB6]  }
0x2f: {  	lr =	sadd.s32 s0, s3;
	s0 =	sld [smem:$0x3FAD]  }
0x30: {  	s3 =	sld [smem:$0x3FB0]  }
0x31: {  	[smem:$0x3FB9] =	sst s10  }
0x32: {  	s10 =	sld [smem:$0x3FB7];
	_ =	sdelay $0x3  }
0x33: {  	p0 =	seq.s32 s10, $0x1;
	s10 =	sld [smem:$0x3FB9];
	_ =	sdelay $0x3  }
0x34: {  	[smem:$0x3FB9] =	sst s10  }
0x35: {  	s10 =	sld [smem:$0x3FB8];
	_ =	sdelay $0x3  }
0x36: {  	p1 =	seq.s32 s10, $0x1;
	s10 =	sld [smem:$0x3FB9];
	_ =	sdelay $0x3  }
0x37: {  	[smem:$0x3FB9] =	sst s10  }
0x38: {  	s10 =	sld [smem:$0x3FBA]  }
0x39: {  	_ = 	snop;
	(pc) =	sbr.ind lr, $3  }
0x3a: {  	_ = 	snop  }
0x3b: {  	_ = 	snop  }
0x3c: {  	p2 =	seq.s32 s10, $0x1;
	s10 =	sld [smem:$0x3FB9]  }
0x3d: {  	_ =	shalt  }
0x3e: {  	_ =	shalt  }
0x3f: {  	_ =	shalt  }
0x40: {  	_ =	shalt  }
0x41: {  	_ =	shalt  }
0x42: {  	_ =	shalt  }
0x43: {  	_ =	shalt  }
0x44: {  	_ =	shalt  }
0x45: {  	_ =	shalt  }
0x46: {  	_ =	shalt  }
0x47: {  	_ =	shalt  }
0x48: {  	_ =	shalt  }
0x49: {  	_ =	shalt  }
0x4a: {  	_ =	shalt  }
0x4b: {  	_ =	shalt  }
0x4c: {  	_ =	shalt  }
0x4d: {  	_ =	shalt  }
0x4e: {  	_ =	shalt  }
0x4f: {  	_ =	shalt  }
0x50: {  	_ =	shalt  }
0x51: {  	_ =	shalt  }
0x52: {  	_ =	shalt  }
0x53: {  	_ =	shalt  }
0x54: {  	_ =	shalt  }
0x55: {  	_ =	shalt  }
0x56: {  	_ =	shalt  }
0x57: {  	_ =	shalt  }
0x58: {  	_ =	shalt  }
0x59: {  	_ =	shalt  }
0x5a: {  	_ =	shalt  }
0x5b: {  	_ =	shalt  }
0x5c: {  	_ =	shalt  }
0x5d: {  	_ =	shalt  }
0x5e: {  	_ =	shalt  }
0x5f: {  	_ =	shalt  }
0x60: {  	_ =	shalt  }
0x61: {  	_ =	shalt  }
0x62: {  	_ =	shalt  }
0x63: {  	_ =	shalt  }
0x64: {  	_ =	shalt  }
0x65: {  	_ =	shalt  }
0x66: {  	_ =	shalt  }
0x67: {  	_ =	shalt  }
0x68: {  	_ =	shalt  }
0x69: {  	_ =	shalt  }
0x6a: {  	_ =	shalt  }
0x6b: {  	_ =	shalt  }
0x6c: {  	_ =	shalt  }
0x6d: {  	_ =	shalt  }
0x6e: {  	_ =	shalt  }
0x6f: {  	_ =	shalt  }
0x70: {  	_ =	shalt  }
0x71: {  	_ =	shalt  }
0x72: {  	_ =	shalt  }
0x73: {  	_ =	shalt  }
0x74: {  	_ =	shalt  }
0x75: {  	_ =	shalt  }
0x76: {  	_ =	shalt  }
0x77: {  	_ =	shalt  }
0x78: {  	_ =	shalt  }
0x79: {  	_ =	shalt  }
0x7a: {  	_ =	shalt  }
0x7b: {  	_ =	shalt  }
0x7c: {  	_ =	shalt  }
0x7d: {  	_ =	shalt  }
0x7e: {  	_ =	shalt  }
0x7f: {  	_ =	shalt  }
0x80: {  	_ =	shalt  }
0x81: {  	_ =	shalt  }
0x82: {  	_ =	shalt  }
0x83: {  	_ =	shalt  }
0x84: {  	_ =	shalt  }
0x85: {  	_ =	shalt  }
0x86: {  	_ =	shalt  }
0x87: {  	_ =	shalt  }
.Lfunc_end0:
.L_simem_size_0:
called_computation_lowered:
.L_overlay_start_0:
0x88: {  	s2 =	sld [smem:$0x3FD9]  }
0x89: {  	s3 =	sld [smem:$0x3FFE];
	_ =	sdelay $0x1  }
0x8a: {  	s1 =	srdreg.scid  }
0x8b: {  	s0 =	sand.u32 $0x1, s1  }
0x8c: {  	s17 =	sshll.u32 s0, $0xA;
	s2 =	sadd.s32 s3, s2  }
0x8d: {  	s2 =	sadd.s32 s2, s17  }
0x8e: {  	[smem:$0x3FC5] =	sst s2  }
0x8f: {  	_ = 	snop  }
0x90: {  	s2 =	sld [smem:$0x3FC8]  }
0x91: {  	s18 =	sld [smem:$0x3FD0];
	(tm) =	ssettm $0x1  }
0x92: {  	s4 =	sld [smem:$0x3FFB];
	_ =	sdelay $0x3  }
0x93: {  	_ =	strace s4  }
0x94: {  	s4 =	sld [smem:$0x3FFC];
	_ =	sdelay $0x3  }
0x95: {  	_ =	strace s4  }
0x96: {  	s4 =	sld [smem:$0x3FFD];
	_ =	sdelay $0x3  }
0x97: {  	_ =	strace s4  }
0x98: {  	_ =	strace $0x8FFFFFFF  }
0x99: {  	s19 =	sld [smem:$0x3FDB];
	_ =	sdelay $0x1  }
0x9a: {  	s5 =	simm.s32 $_scs_section_size  }
0x9b: {  	s6 =	simm.s32 $_size__tile_overlayer_lowered;
	s7 =	simm.s32 $_tile_overlayer_lowered  }
0x9c: {  	s22 =	simm.s32 $0x1BFF;
	s21 =	sshll.u32 s7, $0x1;
	s4 =	sadd.s32 s5, s19  }
0x9d: {  	s8 =	simm.s32 $0x0;
	s20 =	sshll.u32 s6, $0x1;
	s6 =	sadd.s32 s21, s4  }
0x9e: {  	[timem:s8], [sflag:s22] =	dma.local [hbm:s6], s20  }
0x9f: {  	_ =	swait.ge [sflag:s22], s20  }
0xa0: {  	s5 =	ssub.s32 $0x0, s20;
	[sflag:s22] =	ssyncset.done $0x0  }
0xa1: {  	[sflag:s22] =	ssyncadd.s32 s5;
	_ =	sdelay $0x1  }
0xa2: {  	s23 =	simm.s32 $0x1B8B  }
0xa3: {  	_ =	swait.ge [sflag:s23], $0x1  }
0xa4: {  	[sflag:s23] =	ssyncset.done $0x0  }
0xa5: {  	s25 =	simm.s32 $0x1B8E;
	s24 =	sld [smem:$0x3FFE];
	[sflag:s23] =	ssyncadd.s32 $0xFFFFFFFF  }
0xa6: {  	s26 =	simm.s32 $execute0_lowered;
	[smem:$0x3FD2] =	sst s25  }
0xa7: {  	s6 =	sshll.u32 s26, $0x1;
	_ =	strace $0x80000046;
	[dreg:$0x1] =	wrdreg $0xFFFFFFFF  }
0xa8: {  	s28 =	simm.s32 $_size_execute0_lowered;
	s4 =	sadd.s32 s4, s6;
	[dreg:$0x0] =	wrdreg $0x0  }
0xa9: {  	s6 =	sshll.u32 s28, $0x1;
	[dreg:$0x2] =	wrdreg s4  }
0xaa: {  	[dreg:$0x3] =	wrdreg s6  }
0xab: {  	[dreg:$0x4] =	wrdreg $0xC0  }
0xac: {  	_ =	task [dreg:s8], $0x5FFFF  }
0xad: {  	[dreg:$0x1] =	wrdreg $0xFFFFFFFF  }
0xae: {  	[dreg:$0x0] =	wrdreg $0x60  }
0xaf: {  	[dreg:$0x2] =	wrdreg s2  }
0xb0: {  	[dreg:$0x3] =	wrdreg s24  }
0xb1: {  	[dreg:$0x4] =	wrdreg s18  }
0xb2: {  	[dreg:$0x5] =	wrdreg $0x9  }
0xb3: {  	_ =	task.clear_ibuf [dreg:s8], $0x6FFFF;
	_ =	strace $0x90000046  }
0xb4: {  	s29 =	simm.s32 $0x9;
	_ =	strace $0x80000048  }
0xb5: {  	_ =	swait.ge [sflag:s29], $0x1  }
0xb6: {  	[sflag:s29] =	ssyncadd.s32 $0xFFFFFFFF  }
0xb7: {  	_ =	strace $0x90000048  }
0xb8: {  	_ =	sfence  }
0xb9: {  	s30 =	sld [smem:$0x0];
	_ =	sdelay $0x2  }
0xba: {  	s31 =	sshll.u32 s1, $0xD;
	s1 =	sshrl.u32 s1, $0x2  }
0xbb: {  	s3 =	sand.u32 $0x4000, s31;
	s1 =	sadd.s32 s1, s30  }
0xbc: {  	s0 =	sor.u32 s3, s0;
	s1 =	sshll.u32 s1, $0x11  }
0xbd: {  	s0 =	sor.u32 s1, s0  }
0xbe: {  	s0 =	sadd.s32 $0x8F2B, s0  }
0xbf: {  	[sflag:s0] =	ssyncadd.remote.s32 $0x1  }
0xc0: {  	_ =	sfence.sel $0xFFFF  }
0xc1: {  	[dreg:$0x0] =	wrdreg $0xFFFFFFFF;
	(pc) =	sbr.abs _section_cstart, $3  }
0xc2: {  	[dreg:$0x1] =	wrdreg $0xFFFFFFFF  }
0xc3: {  	_ =	task.clear_ibuf [dreg:s8], $0x2FFFF;
	_ =	strace $0x9FFFFFFF  }
0xc4: {  	(tm) =	ssettm $0x7FFFFFFF  }
0xc5: {  	_ =	shalt  }
tec
execute0_lowered:
.L_overlay_start_1:
0x0: {  	(tag) =	ssettag $0x1  }
0x1: {  	s4 =	rddreg [dreg:$0x0]  }
0x2: {  	s3 =	rddreg [dreg:$0x1]  }
0x3: {  	s5 =	rddreg [dreg:$0x2]  }
0x4: {  	s0 =	rddreg [dreg:$0x3];
	s2 =	simm.s32 $0x0;
	s1 =	stileid.u32  }
0x5: {  	s6 =	srdreg.scid;
	s12 =	simm.s32 $0x0;
	[smem:$0x7FF] =	sst s2  }
0x6: {  	s7 =	sshll.u32 s1, $0x1;
	s6 =	sand.u32 $0x1, s6;
	s3 =	sadd.s32 $0x200, s3  }
0x7: {  	s8 =	sshrl.u32 s1, $0x1;
	_ =	strace $0x80000047;
	s7 =	sand.u32 $0x2, s7  }
0x8: {  	s9 =	sshll.u32 s8, $0xB;
	s11 =	sshll.u32 s8, $0x4;
	s7 =	sor.u32 s6, s7  }
0x9: {  	s6 =	ssub.s32 $0x2, s6;
	s4 =	sadd.s32 s4, s11;
	s7 =	sshll.u32 s7, $0x9  }
0xa: {  	v0 =	vmov s11;
	s11 =	simm.s32 $0x280;
	s10 =	sshrl.u32 s6, $0x1;
	s31 =	sor.u32 s9, s7  }
0xb: {  	s6 =	ssub.s32 s6, s10;
	s4 =	sadd.s32 s7, s4;
	s7 =	simm.s32 $0x200  }
0xc: {  	s9 =	simm.s32 $0x80;
	s10 =	simm.s32 $0x400;
	s8 =	sshrl.u32 s31, $0x3  }
0xd: {  	s6 =	smax.u32 s6, $0x1;
	s5 =	sadd.s32 s5, s8;
	s8 =	simm.s32 $0x1  }
.LBB2_1:
0xe: {  	[tilespmem:s7], [sflag:$0x1] =	stream.linear.gather [hbm4b:s3+s2], $0x80, $0x38;
	[tilespmem:$0x480] =	vst v63  }
0xf: {  	_ =	swait.ge [sflag:s8], $0x80  }
0x10: {  	[sflag:s8] =	ssyncset.done $0x0  }
0x11: {  	[sflag:s8] =	ssyncadd.s32 $0xFFFFFF80  }
0x12: {  	[tilespmem:s2], [sflag:$0x1] =	stream.strided.gather [hbm4b:s4+s9], $0x200, s10, s9, $0x38;
	[tilespmem:$0x480] =	vst v63  }
0x13: {  	_ =	swait.ge [sflag:s8], $0x200  }
0x14: {  	[sflag:s8] =	ssyncset.done $0x0  }
0x15: {  	s14 =	simm.s32 $0x0;
	[sflag:s8] =	ssyncadd.s32 $0xFFFFFE00  }
0x16: {  	v1 =	vld [tilespmem:s14+$0x0];
	_ =	sdelay $0x4  }
0x17: {  	s13 =	simm.s32 $0x10;
	v1 =	vadd.s32 v0, v1  }
0x18: {  	v3 =	vld [tilespmem:s13+$0x0];
	_ =	sdelay $0x3  }
0x19: {  	v2 =	vld.idx.msk [tilespmem:v1+s7+$0x0], $0xffff  }
0x1a: {  	v1 =	vadd.s32 v0, v3  }
0x1b: {  	s15 =	simm.s32 $0x20;
	s16 =	simm.s32 $0xC0  }
.LBB2_2:
0x1c: {  	p0 =	sne.s32 s16, $0x7C0;
	v3 =	vld [tilespmem:s15+$0x0];
	_ =	sdelay $0x1  }
.Ltmp0:
0x1d: {  	[tilespmem:s14+$0x280] =	vst v2;
	s14 =	smov.u32 s13;
	s13 =	smov.u32 s15;
	(pc) =	sbr.rel @p0 .LBB2_2-.Ltmp0, $3  }
0x1e: {  	v2 =	vld.idx.msk [tilespmem:v1+s7+$0x0], $0xffff;
	_ =	sdelay $0x1  }
0x1f: {  	v1 =	vadd.s32 v0, v3  }
0x20: {  	s15 =	sshra.s32 s16, $0x2;
	s16 =	sadd.s32 $0x40, s16  }
0x21: {  	v3 =	vld [tilespmem:s15+$0x0];
	_ =	sdelay $0x2  }
0x22: {  	[tilespmem:s14+$0x280] =	vst v2  }
0x23: {  	v1 =	vld.idx.msk [tilespmem:v1+s7+$0x0], $0xffff  }
0x24: {  	v2 =	vadd.s32 v0, v3;
	_ =	sdelay $0x3  }
0x25: {  	[tilespmem:s13+$0x280] =	vst v1  }
0x26: {  	v1 =	vld.idx.msk [tilespmem:v2+s7+$0x0], $0xffff;
	_ =	sdelay $0x2  }
0x27: {  	s12 =	sadd.s32 $0x1, s12  }
0x28: {  	p0 =	sne.s32 s12, s6  }
.Ltmp1:
0x29: {  	[tilespmem:s15+$0x280] =	vst v1;
	(pc) =	sbr.rel @p0 .LBB2_1-.Ltmp1, $4  }
0x2a: {  	[hbm4b:s5+s2] =	stream.linear.scatter [tilespmem:s11], [sflag:$0x1], $0x200, $0x38;
	[tilespmem:$0x480] =	vst v63  }
0x2b: {  	_ =	swait.ge [sflag:s8], $0x200  }
0x2c: {  	[sflag:s8] =	ssyncset.done $0x0  }
0x2d: {  	[sflag:s8] =	ssyncadd.s32 $0xFFFFFE00  }
0x2e: {  	_ =	sfence.sel $0x180000  }
0x2f: {  	[bflag:$0x0] =	sbarrier.arrive $0xFFFF  }
0x30: {  	p0 =	sne.s32 s1, $0x0;
	_ =	strace $0x90000047  }
0x31: {  	s0 =	sadd.s32 @!p0 $0x100000, s0;
	[bflag:$0x2] =	sbarrier.arrive $0xFFFF  }
0x32: {  	[sflag:s0] =	ssyncadd.tile.s32 @!p0 $0x1;
	_ =	shalt  }
.Lfunc_end2:
_tile_overlayer_lowered:
.L_overlay_start_2:
0x33: {  	(tag) =	ssettag $0x2  }
0x34: {  	s0 =	rddreg [dreg:$0x0];
	s2 =	stileid.u32  }
0x35: {  	s1 =	rddreg [dreg:$0x1];
	p0 =	sne.s32 s2, $0x0  }
0x36: {  	s3 =	rddreg [dreg:$0x2];
	[bflag:$0x3] =	sbarrier.arrive $0xFFFF;
	s2 =	simm.s32 @!p0 $0x1C01  }
0x37: {  	[timem:s3], [sflag:s2] =	dma.local @!p0 [hbm:s0], s1  }
0x38: {  	s0 =	simm.s32 @!p0 $0x1  }
0x39: {  	_ =	swait.ge @!p0 [sflag:s0], s1  }
0x3a: {  	s1 =	ssub.s32 @!p0 $0x0, s1;
	[sflag:s0] =	ssyncset.done @!p0 $0x0  }
0x3b: {  	[sflag:s0] =	ssyncadd.s32 @!p0 s1  }
0x3c: {  	[bflag:$0x3] =	sbarrier.arrive $0xFFFF  }
0x3d: {  	_ =	shalt  }

</sc_bundles>
